<compile_context>
chip_gen: v7x
topology: tpu7x:2x2x1
jax: 0.10.2.dev20260603
libtpu: 0.0.44.dev20260713+nightly
codegen_flags: <defaults>
</compile_context>

<pallas_src>
import functools

import jax
import jax.numpy as jnp
from jax import lax
from jax.experimental import pallas as pl
from jax.experimental.pallas import tpu as pltpu
from jax.experimental.pallas import tpu_sc as plsc

_CHUNK = 128
_K = 2


@functools.lru_cache(maxsize=None)
def _build_gather(v: int, d: int, b: int):
    info = plsc.get_sparse_core_info()
    nc, ns = info.num_cores, info.num_subcores
    nw = nc * ns
    sc_rows = _K * _CHUNK
    assert b % (nw * 2 * sc_rows) == 0
    b_per_w = b // nw
    n_chunks = b_per_w // _CHUNK
    n_super = n_chunks // _K
    n_pairs = n_super // 2
    mesh = plsc.VectorSubcoreMesh(core_axis_name="c", subcore_axis_name="s")

    @functools.partial(
        pl.kernel,
        mesh=mesh,
        out_type=jax.ShapeDtypeStruct((b, d), jnp.float32),
        scratch_types=[
            pltpu.VMEM((b_per_w,), jnp.int32),
            pltpu.VMEM((sc_rows, d), jnp.float32),
            pltpu.VMEM((sc_rows, d), jnp.float32),
            pltpu.VMEM_SHARED((v, d), jnp.float32),
            pltpu.SemaphoreType.DMA,
            pltpu.SemaphoreType.DMA,
            pltpu.SemaphoreType.DMA,
            pltpu.SemaphoreType.DMA,
        ],
    )
    def gather_k(table_hbm, idx_hbm, out_hbm, idx_v, rows0, rows1, tab_sp,
                 sg0, sg1, ss0, ss1):
        wid = lax.axis_index("s") * nc + lax.axis_index("c")
        base0 = wid * b_per_w

        sid = lax.axis_index("s")
        full = ((v + ns - 1) // ns + 7) // 8 * 8
        tail = v - full * (ns - 1)
        assert 0 < tail <= full

        @pl.when(sid < ns - 1)
        def _():
            pltpu.sync_copy(table_hbm.at[pl.ds(sid * full, full)],
                            tab_sp.at[pl.ds(sid * full, full)])

        @pl.when(sid == ns - 1)
        def _():
            pltpu.sync_copy(table_hbm.at[pl.ds((ns - 1) * full, tail)],
                            tab_sp.at[pl.ds((ns - 1) * full, tail)])

        pltpu.sync_copy(idx_hbm.at[pl.ds(base0, b_per_w)], idx_v)
        plsc.subcore_barrier()

        def g_start(si, rows_b, sg, src=tab_sp):
            pltpu.async_copy(
                src.at[idx_v.at[pl.ds(si * sc_rows, sc_rows)]], rows_b, sg)

        def g_wait(si, rows_b, sg, src=tab_sp):
            pltpu.make_async_copy(
                src.at[idx_v.at[pl.ds(si * sc_rows, sc_rows)]], rows_b, sg).wait()

        def s_start(si, rows_b, ss):
            pltpu.async_copy(
                rows_b, out_hbm.at[pl.ds(base0 + si * sc_rows, sc_rows)], ss)

        def s_wait(si, rows_b, ss):
            pltpu.make_async_copy(
                rows_b, out_hbm.at[pl.ds(base0 + si * sc_rows, sc_rows)], ss).wait()

        g_start(0, rows0, sg0)
        g_wait(0, rows0, sg0)
        s_start(0, rows0, ss0)
        g_start(1, rows1, sg1, table_hbm)

        def body(j, carry):
            c1 = 2 * j + 1
            c2 = c1 + 1
            c3 = c1 + 2
            g_wait(c1, rows1, sg1, table_hbm)
            s_start(c1, rows1, ss1)
            s_wait(c1 - 1, rows0, ss0)
            g_start(c2, rows0, sg0)
            g_wait(c2, rows0, sg0)
            s_start(c2, rows0, ss0)
            s_wait(c1, rows1, ss1)
            g_start(c3, rows1, sg1, table_hbm)
            return carry

        lax.fori_loop(0, n_pairs - 1, body, 0)

        g_wait(n_super - 1, rows1, sg1, table_hbm)
        s_start(n_super - 1, rows1, ss1)
        s_wait(n_super - 2, rows0, ss0)
        s_wait(n_super - 1, rows1, ss1)

    return gather_k


def kernel(input, weight):
    bsz, hist = input.shape
    _, d = weight.shape
    b = bsz * hist
    idx_flat = input.reshape(b)
    out = _build_gather(weight.shape[0], d, b)(weight, idx_flat)
    return out.reshape(bsz, hist, d)

# --- scband reference (transcript-rebuilt; emitter-appended) ---
"""Pipeline reference for scband-embedding-layer-42090679500925 (READ-ONLY COPY).

The authoritative reference and input builder live on the scoring server;
editing this copy changes nothing except your own understanding.
"""

import jax, jax.numpy as jnp
import numpy as np

N_V = 1002  # 1000 words + <oov> + <pad>
N_D = 128
PAD_ID = 1001
BATCH = 4096
HIST = 200


def setup_inputs(seed: int = 0) -> dict:
    key = jax.random.key(seed)
    k1, k2 = jax.random.split(key)
    # nn.Embedding weight: uniform_(-0.25, 0.25), then row L2-normalized (normalize=True)
    w = jax.random.uniform(k1, (N_V, N_D), dtype=jnp.float32, minval=-0.25, maxval=0.25)
    norms = jnp.linalg.norm(w, axis=1, keepdims=True)
    w = w / norms
    inp = jax.random.randint(k2, (BATCH, HIST), 0, 1000, dtype=jnp.int32)
    return {"input": inp, "weight": w}


def reference(input, weight):
    # EmbeddingLayer.forward: self.embedding(input) -> pure gather
    return jnp.take(weight, input, axis=0)

if __name__ == "__main__":
    import jax
    _d = setup_inputs()
    print(jax.jit(kernel)(*tuple(_d.values())))

</pallas_src>

<mosaic_0001>
#map = affine_map<(d0, d1) -> (0, 0)>
#map1 = affine_map<(d0, d1) -> (0)>
module attributes {stable_mosaic.version = 14 : i64} {
  func.func @gather_k(%arg0: i32, %arg1: i32, %arg2: memref<1002x128xf32, #tpu.memory_space<hbm>>, %arg3: memref<819200xi32, #tpu.memory_space<hbm>>, %arg4: memref<819200x128xf32, #tpu.memory_space<hbm>>, %arg5: memref<25600xi32, #tpu.memory_space<vmem>>, %arg6: memref<256x128xf32, #tpu.memory_space<vmem>>, %arg7: memref<256x128xf32, #tpu.memory_space<vmem>>, %arg8: memref<1002x128xf32, #tpu.memory_space<vmem_shared>>, %arg9: memref<!tpu.dma_semaphore, #tpu.memory_space<semaphore_mem>>, %arg10: memref<!tpu.dma_semaphore, #tpu.memory_space<semaphore_mem>>, %arg11: memref<!tpu.dma_semaphore, #tpu.memory_space<semaphore_mem>>, %arg12: memref<!tpu.dma_semaphore, #tpu.memory_space<semaphore_mem>>) attributes {dimension_semantics = [#tpu.dimension_semantics<core_parallel>, #tpu.dimension_semantics<subcore_parallel>], iteration_bounds = array<i64: 2, 16>, scalar_prefetch = 0 : i64, scratch_operands = 8 : i64, tpu.core_type = #tpu.core_type<sc_vector_subcore>, window_params = [{transform_indices = #map}, {transform_indices = #map1}, {transform_indices = #map}]} {
    %mul3A = arith.constant 2 : i32
    %mul3A_0 = arith.muli %arg1, %mul3A : i32
    %add3A = arith.addi %mul3A_0, %arg0 : i32
    %mul3A_1 = arith.constant 25600 : i32
    %mul3A_2 = arith.muli %add3A, %mul3A_1 : i32
    %lt3A = arith.constant 15 : i32
    %lt3A_3 = arith.cmpi slt, %arg1, %lt3A : i32
    %convert_element_type3A = arith.extui %lt3A_3 : i1 to i32
    %cond3A = arith.constant 0 : i32
    %cond3A_4 = arith.cmpi ne, %convert_element_type3A, %cond3A : i32
    scf.if %cond3A_4 {
      %mul3A_56 = arith.constant 64 : i32
      %mul3A_57 = arith.muli %arg1, %mul3A_56 : i32
      %mul3A_58 = arith.constant 64 : i32
      %mul3A_59 = arith.muli %arg1, %mul3A_58 : i32
      "tpu.region"() ({
        %run_scoped3A = tpu.sem_alloc : memref<!tpu.dma_semaphore, #tpu.memory_space<semaphore_mem>>
        %dma_start3A_60 = arith.constant 0 : i32
        %dma_start3A_61 = tpu.memref_slice %arg8[%mul3A_59, %dma_start3A_60] : memref<1002x128xf32, #tpu.memory_space<vmem_shared>> -> memref<64x128xf32, #tpu.memory_space<vmem_shared>>
        %dma_start3A_62 = arith.constant 0 : i32
        %dma_start3A_63 = tpu.memref_slice %arg2[%mul3A_57, %dma_start3A_62] : memref<1002x128xf32, #tpu.memory_space<hbm>> -> memref<64x128xf32, #tpu.memory_space<hbm>>
        tpu.enqueue_dma source(%dma_start3A_63 : memref<64x128xf32, #tpu.memory_space<hbm>>) target(%dma_start3A_61 : memref<64x128xf32, #tpu.memory_space<vmem_shared>>) target_semaphore(%run_scoped3A : memref<!tpu.dma_semaphore, #tpu.memory_space<semaphore_mem>>)
        %dma_wait3A_64 = arith.constant 0 : i32
        %dma_wait3A_65 = tpu.memref_slice %arg8[%mul3A_59, %dma_wait3A_64] : memref<1002x128xf32, #tpu.memory_space<vmem_shared>> -> memref<64x128xf32, #tpu.memory_space<vmem_shared>>
        %dma_wait3A_66 = arith.constant 0 : i32
        %dma_wait3A_67 = tpu.memref_slice %arg2[%mul3A_57, %dma_wait3A_66] : memref<1002x128xf32, #tpu.memory_space<hbm>> -> memref<64x128xf32, #tpu.memory_space<hbm>>
        tpu.wait_dma2 semaphore(%run_scoped3A : memref<!tpu.dma_semaphore, #tpu.memory_space<semaphore_mem>>) src(%dma_wait3A_67 : memref<64x128xf32, #tpu.memory_space<hbm>>) dst(%dma_wait3A_65 : memref<64x128xf32, #tpu.memory_space<vmem_shared>>)
        tpu.yield
      }) : () -> ()
    } else {
    }
    %eq3A = arith.constant 15 : i32
    %eq3A_5 = arith.cmpi eq, %arg1, %eq3A : i32
    %convert_element_type3A_6 = arith.extui %eq3A_5 : i1 to i32
    %cond3A_7 = arith.constant 0 : i32
    %cond3A_8 = arith.cmpi ne, %convert_element_type3A_6, %cond3A_7 : i32
    scf.if %cond3A_8 {
      "tpu.region"() ({
        %run_scoped3A = tpu.sem_alloc : memref<!tpu.dma_semaphore, #tpu.memory_space<semaphore_mem>>
        %dma_start3A_56 = arith.constant 960 : i32
        %dma_start3A_57 = arith.constant 0 : i32
        %dma_start3A_58 = tpu.memref_slice %arg8[%dma_start3A_56, %dma_start3A_57] : memref<1002x128xf32, #tpu.memory_space<vmem_shared>> -> memref<42x128xf32, #tpu.memory_space<vmem_shared>>
        %dma_start3A_59 = arith.constant 960 : i32
        %dma_start3A_60 = arith.constant 0 : i32
        %dma_start3A_61 = tpu.memref_slice %arg2[%dma_start3A_59, %dma_start3A_60] : memref<1002x128xf32, #tpu.memory_space<hbm>> -> memref<42x128xf32, #tpu.memory_space<hbm>>
        tpu.enqueue_dma source(%dma_start3A_61 : memref<42x128xf32, #tpu.memory_space<hbm>>) target(%dma_start3A_58 : memref<42x128xf32, #tpu.memory_space<vmem_shared>>) target_semaphore(%run_scoped3A : memref<!tpu.dma_semaphore, #tpu.memory_space<semaphore_mem>>)
        %dma_wait3A_62 = arith.constant 960 : i32
        %dma_wait3A_63 = arith.constant 0 : i32
        %dma_wait3A_64 = tpu.memref_slice %arg8[%dma_wait3A_62, %dma_wait3A_63] : memref<1002x128xf32, #tpu.memory_space<vmem_shared>> -> memref<42x128xf32, #tpu.memory_space<vmem_shared>>
        %dma_wait3A_65 = arith.constant 960 : i32
        %dma_wait3A_66 = arith.constant 0 : i32
        %dma_wait3A_67 = tpu.memref_slice %arg2[%dma_wait3A_65, %dma_wait3A_66] : memref<1002x128xf32, #tpu.memory_space<hbm>> -> memref<42x128xf32, #tpu.memory_space<hbm>>
        tpu.wait_dma2 semaphore(%run_scoped3A : memref<!tpu.dma_semaphore, #tpu.memory_space<semaphore_mem>>) src(%dma_wait3A_67 : memref<42x128xf32, #tpu.memory_space<hbm>>) dst(%dma_wait3A_64 : memref<42x128xf32, #tpu.memory_space<vmem_shared>>)
        tpu.yield
      }) : () -> ()
    } else {
    }
    "tpu.region"() ({
      %run_scoped3A = tpu.sem_alloc : memref<!tpu.dma_semaphore, #tpu.memory_space<semaphore_mem>>
      %dma_start3A_56 = tpu.memref_slice %arg3[%mul3A_2] : memref<819200xi32, #tpu.memory_space<hbm>> -> memref<25600xi32, #tpu.memory_space<hbm>>
      %dma_start3A_57 = tpu.memref_slice %arg3[%mul3A_2] : memref<819200xi32, #tpu.memory_space<hbm>> -> memref<25600xi32, #tpu.memory_space<hbm>>
      tpu.enqueue_dma source(%dma_start3A_57 : memref<25600xi32, #tpu.memory_space<hbm>>) target(%arg5 : memref<25600xi32, #tpu.memory_space<vmem>>) target_semaphore(%run_scoped3A : memref<!tpu.dma_semaphore, #tpu.memory_space<semaphore_mem>>)
      %dma_wait3A_58 = tpu.memref_slice %arg3[%mul3A_2] : memref<819200xi32, #tpu.memory_space<hbm>> -> memref<25600xi32, #tpu.memory_space<hbm>>
      %dma_wait3A_59 = tpu.memref_slice %arg3[%mul3A_2] : memref<819200xi32, #tpu.memory_space<hbm>> -> memref<25600xi32, #tpu.memory_space<hbm>>
      tpu.wait_dma2 semaphore(%run_scoped3A : memref<!tpu.dma_semaphore, #tpu.memory_space<semaphore_mem>>) src(%dma_wait3A_59 : memref<25600xi32, #tpu.memory_space<hbm>>) dst(%arg5 : memref<25600xi32, #tpu.memory_space<vmem>>)
      tpu.yield
    }) : () -> ()
    %barrier3A = arith.constant 0 : index
    tpu.barrier barrier_id(%barrier3A)
    %dma_start3A = arith.constant 0 : i32
    %dma_start3A_9 = tpu.memref_slice %arg5[%dma_start3A] : memref<25600xi32, #tpu.memory_space<vmem>> -> memref<256xi32, #tpu.memory_space<vmem>>
    %dma_start3A_10 = arith.constant 0 : i32
    %dma_start3A_11 = arith.constant 0 : i32
    %dma_start3A_12 = tpu.memref_slice %arg8[%dma_start3A_10, %dma_start3A_11] : memref<1002x128xf32, #tpu.memory_space<vmem_shared>> -> memref<1002x128xf32, #tpu.memory_space<vmem_shared>>
    tpu.enqueue_indirect_dma source(%dma_start3A_12 : memref<1002x128xf32, #tpu.memory_space<vmem_shared>>) target(%arg6 : memref<256x128xf32, #tpu.memory_space<vmem>>) offsets(%dma_start3A_9 : memref<256xi32, #tpu.memory_space<vmem>>) semaphore(%arg9 : memref<!tpu.dma_semaphore, #tpu.memory_space<semaphore_mem>>)
    %dma_wait3A = arith.constant 0 : i32
    %dma_wait3A_13 = tpu.memref_slice %arg5[%dma_wait3A] : memref<25600xi32, #tpu.memory_space<vmem>> -> memref<256xi32, #tpu.memory_space<vmem>>
    %dma_wait3A_14 = arith.constant 0 : i32
    %dma_wait3A_15 = arith.constant 0 : i32
    %dma_wait3A_16 = tpu.memref_slice %arg8[%dma_wait3A_14, %dma_wait3A_15] : memref<1002x128xf32, #tpu.memory_space<vmem_shared>> -> memref<1002x128xf32, #tpu.memory_space<vmem_shared>>
    tpu.wait_indirect_dma semaphore(%arg9 : memref<!tpu.dma_semaphore, #tpu.memory_space<semaphore_mem>>) src(%dma_wait3A_16 : memref<1002x128xf32, #tpu.memory_space<vmem_shared>>) dst(%arg6 : memref<256x128xf32, #tpu.memory_space<vmem>>)
    %add3A_17 = arith.constant 0 : i32
    %add3A_18 = arith.addi %mul3A_2, %add3A_17 : i32
    %dma_start3A_19 = arith.constant 0 : i32
    %dma_start3A_20 = tpu.memref_slice %arg4[%add3A_18, %dma_start3A_19] : memref<819200x128xf32, #tpu.memory_space<hbm>> -> memref<256x128xf32, #tpu.memory_space<hbm>>
    %dma_start3A_21 = arith.constant 0 : i32
    %dma_start3A_22 = tpu.memref_slice %arg4[%add3A_18, %dma_start3A_21] : memref<819200x128xf32, #tpu.memory_space<hbm>> -> memref<256x128xf32, #tpu.memory_space<hbm>>
    tpu.enqueue_dma source(%arg6 : memref<256x128xf32, #tpu.memory_space<vmem>>) target(%dma_start3A_22 : memref<256x128xf32, #tpu.memory_space<hbm>>) target_semaphore(%arg11 : memref<!tpu.dma_semaphore, #tpu.memory_space<semaphore_mem>>)
    %dma_start3A_23 = arith.constant 256 : i32
    %dma_start3A_24 = tpu.memref_slice %arg5[%dma_start3A_23] : memref<25600xi32, #tpu.memory_space<vmem>> -> memref<256xi32, #tpu.memory_space<vmem>>
    %dma_start3A_25 = arith.constant 0 : i32
    %dma_start3A_26 = arith.constant 0 : i32
    %dma_start3A_27 = tpu.memref_slice %arg2[%dma_start3A_25, %dma_start3A_26] : memref<1002x128xf32, #tpu.memory_space<hbm>> -> memref<1002x128xf32, #tpu.memory_space<hbm>>
    tpu.enqueue_indirect_dma source(%dma_start3A_27 : memref<1002x128xf32, #tpu.memory_space<hbm>>) target(%arg7 : memref<256x128xf32, #tpu.memory_space<vmem>>) offsets(%dma_start3A_24 : memref<256xi32, #tpu.memory_space<vmem>>) semaphore(%arg10 : memref<!tpu.dma_semaphore, #tpu.memory_space<semaphore_mem>>)
    %scan3A = arith.constant 0 : i32
    %scan3A_28 = arith.constant 0 : i32
    %scan3A_29 = arith.constant 49 : i32
    %scan3A_30 = arith.addi %scan3A_28, %scan3A_29 : i32
    %scan3A_31 = arith.constant 1 : i32
    scf.for %scan3A_56 = %scan3A_28 to %scan3A_30 step %scan3A_31  : i32 {
      %mul3A_57 = arith.constant 2 : i32
      %mul3A_58 = arith.muli %mul3A_57, %scan3A_56 : i32
      %add3A_59 = arith.constant 1 : i32
      %add3A_60 = arith.addi %mul3A_58, %add3A_59 : i32
      %add3A_61 = arith.constant 1 : i32
      %add3A_62 = arith.addi %add3A_60, %add3A_61 : i32
      %add3A_63 = arith.constant 2 : i32
      %add3A_64 = arith.addi %add3A_60, %add3A_63 : i32
      %mul3A_65 = arith.constant 256 : i32
      %mul3A_66 = arith.muli %add3A_60, %mul3A_65 : i32
      %dma_wait3A_67 = tpu.memref_slice %arg5[%mul3A_66] : memref<25600xi32, #tpu.memory_space<vmem>> -> memref<256xi32, #tpu.memory_space<vmem>>
      %dma_wait3A_68 = arith.constant 0 : i32
      %dma_wait3A_69 = arith.constant 0 : i32
      %dma_wait3A_70 = tpu.memref_slice %arg2[%dma_wait3A_68, %dma_wait3A_69] : memref<1002x128xf32, #tpu.memory_space<hbm>> -> memref<1002x128xf32, #tpu.memory_space<hbm>>
      tpu.wait_indirect_dma semaphore(%arg10 : memref<!tpu.dma_semaphore, #tpu.memory_space<semaphore_mem>>) src(%dma_wait3A_70 : memref<1002x128xf32, #tpu.memory_space<hbm>>) dst(%arg7 : memref<256x128xf32, #tpu.memory_space<vmem>>)
      %mul3A_71 = arith.constant 256 : i32
      %mul3A_72 = arith.muli %add3A_60, %mul3A_71 : i32
      %add3A_73 = arith.addi %mul3A_2, %mul3A_72 : i32
      %dma_start3A_74 = arith.constant 0 : i32
      %dma_start3A_75 = tpu.memref_slice %arg4[%add3A_73, %dma_start3A_74] : memref<819200x128xf32, #tpu.memory_space<hbm>> -> memref<256x128xf32, #tpu.memory_space<hbm>>
      %dma_start3A_76 = arith.constant 0 : i32
      %dma_start3A_77 = tpu.memref_slice %arg4[%add3A_73, %dma_start3A_76] : memref<819200x128xf32, #tpu.memory_space<hbm>> -> memref<256x128xf32, #tpu.memory_space<hbm>>
      tpu.enqueue_dma source(%arg7 : memref<256x128xf32, #tpu.memory_space<vmem>>) target(%dma_start3A_77 : memref<256x128xf32, #tpu.memory_space<hbm>>) target_semaphore(%arg12 : memref<!tpu.dma_semaphore, #tpu.memory_space<semaphore_mem>>)
      %sub3A = arith.constant 1 : i32
      %sub3A_78 = arith.subi %add3A_60, %sub3A : i32
      %mul3A_79 = arith.constant 256 : i32
      %mul3A_80 = arith.muli %sub3A_78, %mul3A_79 : i32
      %add3A_81 = arith.addi %mul3A_2, %mul3A_80 : i32
      %dma_wait3A_82 = arith.constant 0 : i32
      %dma_wait3A_83 = tpu.memref_slice %arg4[%add3A_81, %dma_wait3A_82] : memref<819200x128xf32, #tpu.memory_space<hbm>> -> memref<256x128xf32, #tpu.memory_space<hbm>>
      %dma_wait3A_84 = arith.constant 0 : i32
      %dma_wait3A_85 = tpu.memref_slice %arg4[%add3A_81, %dma_wait3A_84] : memref<819200x128xf32, #tpu.memory_space<hbm>> -> memref<256x128xf32, #tpu.memory_space<hbm>>
      tpu.wait_dma2 semaphore(%arg11 : memref<!tpu.dma_semaphore, #tpu.memory_space<semaphore_mem>>) src(%arg6 : memref<256x128xf32, #tpu.memory_space<vmem>>) dst(%dma_wait3A_85 : memref<256x128xf32, #tpu.memory_space<hbm>>)
      %mul3A_86 = arith.constant 256 : i32
      %mul3A_87 = arith.muli %add3A_62, %mul3A_86 : i32
      %dma_start3A_88 = tpu.memref_slice %arg5[%mul3A_87] : memref<25600xi32, #tpu.memory_space<vmem>> -> memref<256xi32, #tpu.memory_space<vmem>>
      %dma_start3A_89 = arith.constant 0 : i32
      %dma_start3A_90 = arith.constant 0 : i32
      %dma_start3A_91 = tpu.memref_slice %arg8[%dma_start3A_89, %dma_start3A_90] : memref<1002x128xf32, #tpu.memory_space<vmem_shared>> -> memref<1002x128xf32, #tpu.memory_space<vmem_shared>>
      tpu.enqueue_indirect_dma source(%dma_start3A_91 : memref<1002x128xf32, #tpu.memory_space<vmem_shared>>) target(%arg6 : memref<256x128xf32, #tpu.memory_space<vmem>>) offsets(%dma_start3A_88 : memref<256xi32, #tpu.memory_space<vmem>>) semaphore(%arg9 : memref<!tpu.dma_semaphore, #tpu.memory_space<semaphore_mem>>)
      %mul3A_92 = arith.constant 256 : i32
      %mul3A_93 = arith.muli %add3A_62, %mul3A_92 : i32
      %dma_wait3A_94 = tpu.memref_slice %arg5[%mul3A_93] : memref<25600xi32, #tpu.memory_space<vmem>> -> memref<256xi32, #tpu.memory_space<vmem>>
      %dma_wait3A_95 = arith.constant 0 : i32
      %dma_wait3A_96 = arith.constant 0 : i32
      %dma_wait3A_97 = tpu.memref_slice %arg8[%dma_wait3A_95, %dma_wait3A_96] : memref<1002x128xf32, #tpu.memory_space<vmem_shared>> -> memref<1002x128xf32, #tpu.memory_space<vmem_shared>>
      tpu.wait_indirect_dma semaphore(%arg9 : memref<!tpu.dma_semaphore, #tpu.memory_space<semaphore_mem>>) src(%dma_wait3A_97 : memref<1002x128xf32, #tpu.memory_space<vmem_shared>>) dst(%arg6 : memref<256x128xf32, #tpu.memory_space<vmem>>)
      %mul3A_98 = arith.constant 256 : i32
      %mul3A_99 = arith.muli %add3A_62, %mul3A_98 : i32
      %add3A_100 = arith.addi %mul3A_2, %mul3A_99 : i32
      %dma_start3A_101 = arith.constant 0 : i32
      %dma_start3A_102 = tpu.memref_slice %arg4[%add3A_100, %dma_start3A_101] : memref<819200x128xf32, #tpu.memory_space<hbm>> -> memref<256x128xf32, #tpu.memory_space<hbm>>
      %dma_start3A_103 = arith.constant 0 : i32
      %dma_start3A_104 = tpu.memref_slice %arg4[%add3A_100, %dma_start3A_103] : memref<819200x128xf32, #tpu.memory_space<hbm>> -> memref<256x128xf32, #tpu.memory_space<hbm>>
      tpu.enqueue_dma source(%arg6 : memref<256x128xf32, #tpu.memory_space<vmem>>) target(%dma_start3A_104 : memref<256x128xf32, #tpu.memory_space<hbm>>) target_semaphore(%arg11 : memref<!tpu.dma_semaphore, #tpu.memory_space<semaphore_mem>>)
      %mul3A_105 = arith.constant 256 : i32
      %mul3A_106 = arith.muli %add3A_60, %mul3A_105 : i32
      %add3A_107 = arith.addi %mul3A_2, %mul3A_106 : i32
      %dma_wait3A_108 = arith.constant 0 : i32
      %dma_wait3A_109 = tpu.memref_slice %arg4[%add3A_107, %dma_wait3A_108] : memref<819200x128xf32, #tpu.memory_space<hbm>> -> memref<256x128xf32, #tpu.memory_space<hbm>>
      %dma_wait3A_110 = arith.constant 0 : i32
      %dma_wait3A_111 = tpu.memref_slice %arg4[%add3A_107, %dma_wait3A_110] : memref<819200x128xf32, #tpu.memory_space<hbm>> -> memref<256x128xf32, #tpu.memory_space<hbm>>
      tpu.wait_dma2 semaphore(%arg12 : memref<!tpu.dma_semaphore, #tpu.memory_space<semaphore_mem>>) src(%arg7 : memref<256x128xf32, #tpu.memory_space<vmem>>) dst(%dma_wait3A_111 : memref<256x128xf32, #tpu.memory_space<hbm>>)
      %mul3A_112 = arith.constant 256 : i32
      %mul3A_113 = arith.muli %add3A_64, %mul3A_112 : i32
      %dma_start3A_114 = tpu.memref_slice %arg5[%mul3A_113] : memref<25600xi32, #tpu.memory_space<vmem>> -> memref<256xi32, #tpu.memory_space<vmem>>
      %dma_start3A_115 = arith.constant 0 : i32
      %dma_start3A_116 = arith.constant 0 : i32
      %dma_start3A_117 = tpu.memref_slice %arg2[%dma_start3A_115, %dma_start3A_116] : memref<1002x128xf32, #tpu.memory_space<hbm>> -> memref<1002x128xf32, #tpu.memory_space<hbm>>
      tpu.enqueue_indirect_dma source(%dma_start3A_117 : memref<1002x128xf32, #tpu.memory_space<hbm>>) target(%arg7 : memref<256x128xf32, #tpu.memory_space<vmem>>) offsets(%dma_start3A_114 : memref<256xi32, #tpu.memory_space<vmem>>) semaphore(%arg10 : memref<!tpu.dma_semaphore, #tpu.memory_space<semaphore_mem>>)
    }
    %scan3A_32 = arith.constant 49 : i32
    %dma_wait3A_33 = arith.constant 25344 : i32
    %dma_wait3A_34 = tpu.memref_slice %arg5[%dma_wait3A_33] : memref<25600xi32, #tpu.memory_space<vmem>> -> memref<256xi32, #tpu.memory_space<vmem>>
    %dma_wait3A_35 = arith.constant 0 : i32
    %dma_wait3A_36 = arith.constant 0 : i32
    %dma_wait3A_37 = tpu.memref_slice %arg2[%dma_wait3A_35, %dma_wait3A_36] : memref<1002x128xf32, #tpu.memory_space<hbm>> -> memref<1002x128xf32, #tpu.memory_space<hbm>>
    tpu.wait_indirect_dma semaphore(%arg10 : memref<!tpu.dma_semaphore, #tpu.memory_space<semaphore_mem>>) src(%dma_wait3A_37 : memref<1002x128xf32, #tpu.memory_space<hbm>>) dst(%arg7 : memref<256x128xf32, #tpu.memory_space<vmem>>)
    %add3A_38 = arith.constant 25344 : i32
    %add3A_39 = arith.addi %mul3A_2, %add3A_38 : i32
    %dma_start3A_40 = arith.constant 0 : i32
    %dma_start3A_41 = tpu.memref_slice %arg4[%add3A_39, %dma_start3A_40] : memref<819200x128xf32, #tpu.memory_space<hbm>> -> memref<256x128xf32, #tpu.memory_space<hbm>>
    %dma_start3A_42 = arith.constant 0 : i32
    %dma_start3A_43 = tpu.memref_slice %arg4[%add3A_39, %dma_start3A_42] : memref<819200x128xf32, #tpu.memory_space<hbm>> -> memref<256x128xf32, #tpu.memory_space<hbm>>
    tpu.enqueue_dma source(%arg7 : memref<256x128xf32, #tpu.memory_space<vmem>>) target(%dma_start3A_43 : memref<256x128xf32, #tpu.memory_space<hbm>>) target_semaphore(%arg12 : memref<!tpu.dma_semaphore, #tpu.memory_space<semaphore_mem>>)
    %add3A_44 = arith.constant 25088 : i32
    %add3A_45 = arith.addi %mul3A_2, %add3A_44 : i32
    %dma_wait3A_46 = arith.constant 0 : i32
    %dma_wait3A_47 = tpu.memref_slice %arg4[%add3A_45, %dma_wait3A_46] : memref<819200x128xf32, #tpu.memory_space<hbm>> -> memref<256x128xf32, #tpu.memory_space<hbm>>
    %dma_wait3A_48 = arith.constant 0 : i32
    %dma_wait3A_49 = tpu.memref_slice %arg4[%add3A_45, %dma_wait3A_48] : memref<819200x128xf32, #tpu.memory_space<hbm>> -> memref<256x128xf32, #tpu.memory_space<hbm>>
    tpu.wait_dma2 semaphore(%arg11 : memref<!tpu.dma_semaphore, #tpu.memory_space<semaphore_mem>>) src(%arg6 : memref<256x128xf32, #tpu.memory_space<vmem>>) dst(%dma_wait3A_49 : memref<256x128xf32, #tpu.memory_space<hbm>>)
    %add3A_50 = arith.constant 25344 : i32
    %add3A_51 = arith.addi %mul3A_2, %add3A_50 : i32
    %dma_wait3A_52 = arith.constant 0 : i32
    %dma_wait3A_53 = tpu.memref_slice %arg4[%add3A_51, %dma_wait3A_52] : memref<819200x128xf32, #tpu.memory_space<hbm>> -> memref<256x128xf32, #tpu.memory_space<hbm>>
    %dma_wait3A_54 = arith.constant 0 : i32
    %dma_wait3A_55 = tpu.memref_slice %arg4[%add3A_51, %dma_wait3A_54] : memref<819200x128xf32, #tpu.memory_space<hbm>> -> memref<256x128xf32, #tpu.memory_space<hbm>>
    tpu.wait_dma2 semaphore(%arg12 : memref<!tpu.dma_semaphore, #tpu.memory_space<semaphore_mem>>) src(%arg7 : memref<256x128xf32, #tpu.memory_space<vmem>>) dst(%dma_wait3A_55 : memref<256x128xf32, #tpu.memory_space<hbm>>)
    return
  }
}

</mosaic_0001>

<sc_bundles>
// kernel: kernel.3.cloned.1.call-start
scs
__scs_entry_jumppad:
0x0: {  	(pc) =	sbr.rel $0x88, $3  }
0x1: {  	(tag) =	ssettag $0x0;
	lr =	simm.s32 $0x1  }
0x2: {  	[smem:$0x3F9F] =	sst lr;
	_ =	strace $0xD0000000  }
0x3: {  	_ = 	snop  }
0x4: {  	_ = 	snop  }
0x5: {  	_ = 	snop  }
0x6: {  	_ = 	snop  }
0x7: {  	_ = 	snop  }
__scs_overlays_trampoline_lowered:
0x8: {  	[smem:$0x3FAE] =	sst s0  }
0x9: {  	[smem:$0x3FAF] =	sst s1  }
0xa: {  	[smem:$0x3FB0] =	sst s2  }
0xb: {  	[smem:$0x3FB1] =	sst s3  }
0xc: {  	[smem:$0x3FB2] =	sst s4  }
0xd: {  	[smem:$0x3FB3] =	sst s5  }
0xe: {  	[smem:$0x3FB4] =	sst s6  }
0xf: {  	[smem:$0x3FB5] =	sst s7  }
0x10: {  	[smem:$0x3FB6] =	sst s8  }
0x11: {  	[smem:$0x3FB7] =	sst s9;
	s0 =	simm.s32 @!p0 $0x0  }
0x12: {  	s1 =	sld [smem:$0x3F9D];
	s0 =	simm.s32 @p0 $0x1  }
0x13: {  	[smem:$0x3FB8] =	sst s0;
	s0 =	simm.s32 @!p1 $0x0  }
0x14: {  	s2 =	sld [smem:$0x3F9C];
	s0 =	simm.s32 @p1 $0x1  }
0x15: {  	[smem:$0x3FB9] =	sst s0;
	s0 =	simm.s32 @!p2 $0x0  }
0x16: {  	s3 =	sld [smem:$0x3FDB];
	s0 =	simm.s32 @p2 $0x1  }
0x17: {  	s4 =	simm.s32 $0x1BF5;
	[smem:$0x3FBB] =	sst s0  }
0x18: {  	s0 =	sld [smem:$0x3F9E];
	_ =	swait.ge [sflag:s4], $0x0  }
0x19: {  	s7 =	sld [smem:$0x3F9F]  }
0x1a: {  	s8 =	sadd.s32 $0xFFFFE003, lr  }
0x1b: {  	s9 =	sadd.s32 $0xFFFFFEF7, lr;
	s5 =	simm.s32 $0xFFFFFFFF;
	p2 =	slt.u32 s8, $0xFFFFF086  }
0x1c: {  	p1 =	slt.u32 s9, $0xF7A;
	s5 =	simm.s32 @!p2 $0x0  }
0x1d: {  	s5 =	simm.s32 @p1 $0x1;
	p0 =	seq.s32 s7, s2  }
0x1e: {  	s7 =	smul.u32 @!p0 $0xF7A, s2;
	p2 =	seq.s32 @!p0 s5, $0x0  }
0x1f: {  	s9 =	smul.u32 $0xF7A, s1;
	s8 =	simm.s32 @!p0 $0x1BF5;
	p2 =	por !p2, p0  }
0x20: {  	[sflag:s8] =	ssyncset.s32 @!p0 $0xFFFFF086;
	s6 =	sadd.s32 @!p0 s3, s7;
	s7 =	simm.s32 @!p0 $0x108  }
0x21: {  	s3 =	sadd.s32 s3, s9;
	s6 =	sadd.s32 @!p0 $0x88, s6;
	s7 =	simm.s32 @p2 $0x1082  }
0x22: {  	[simem:s7], [sflag:s8] =	dma.local @!p0 [hbm:s6], $0xF7A  }
0x23: {  	s9 =	sor.u32 $0xD0000000, s2;
	s6 =	simm.s32 $0x108;
	_ =	swait.ge @!p0 [sflag:s8], $0x0  }
0x24: {  	s3 =	sadd.s32 $0x88, s3;
	s6 =	simm.s32 @!p1 $0x1082;
	[sflag:s4] =	ssyncset.s32 $0xFFFFF086  }
0x25: {  	[simem:s6], [sflag:s4] =	dma.local [hbm:s3], $0xF7A  }
0x26: {  	[smem:$0x3F9F] =	sst s1;
	(tag) =	ssettag s2;
	_ =	strace s9  }
0x27: {  	s1 =	sld [smem:$0x3FAF]  }
0x28: {  	s2 =	sld [smem:$0x3FB0]  }
0x29: {  	s4 =	sld [smem:$0x3FB2]  }
0x2a: {  	p0 =	seq.s32 s5, $0x0;
	s5 =	sld [smem:$0x3FB3]  }
0x2b: {  	s6 =	sld [smem:$0x3FB4]  }
0x2c: {  	s7 =	sld [smem:$0x3FB5]  }
0x2d: {  	s3 =	simm.s32 $0x108;
	s8 =	sld [smem:$0x3FB6]  }
0x2e: {  	s3 =	simm.s32 @!p0 $0x1082;
	s9 =	sld [smem:$0x3FB7]  }
0x2f: {  	lr =	sadd.s32 s0, s3;
	s0 =	sld [smem:$0x3FAE]  }
0x30: {  	s3 =	sld [smem:$0x3FB1]  }
0x31: {  	[smem:$0x3FBA] =	sst s10  }
0x32: {  	s10 =	sld [smem:$0x3FB8];
	_ =	sdelay $0x3  }
0x33: {  	p0 =	seq.s32 s10, $0x1;
	s10 =	sld [smem:$0x3FBA];
	_ =	sdelay $0x3  }
0x34: {  	[smem:$0x3FBA] =	sst s10  }
0x35: {  	s10 =	sld [smem:$0x3FB9];
	_ =	sdelay $0x3  }
0x36: {  	p1 =	seq.s32 s10, $0x1;
	s10 =	sld [smem:$0x3FBA];
	_ =	sdelay $0x3  }
0x37: {  	[smem:$0x3FBA] =	sst s10  }
0x38: {  	s10 =	sld [smem:$0x3FBB]  }
0x39: {  	_ = 	snop;
	(pc) =	sbr.ind lr, $3  }
0x3a: {  	_ = 	snop  }
0x3b: {  	_ = 	snop  }
0x3c: {  	p2 =	seq.s32 s10, $0x1;
	s10 =	sld [smem:$0x3FBA]  }
0x3d: {  	_ =	shalt  }
0x3e: {  	_ =	shalt  }
0x3f: {  	_ =	shalt  }
0x40: {  	_ =	shalt  }
0x41: {  	_ =	shalt  }
0x42: {  	_ =	shalt  }
0x43: {  	_ =	shalt  }
0x44: {  	_ =	shalt  }
0x45: {  	_ =	shalt  }
0x46: {  	_ =	shalt  }
0x47: {  	_ =	shalt  }
0x48: {  	_ =	shalt  }
0x49: {  	_ =	shalt  }
0x4a: {  	_ =	shalt  }
0x4b: {  	_ =	shalt  }
0x4c: {  	_ =	shalt  }
0x4d: {  	_ =	shalt  }
0x4e: {  	_ =	shalt  }
0x4f: {  	_ =	shalt  }
0x50: {  	_ =	shalt  }
0x51: {  	_ =	shalt  }
0x52: {  	_ =	shalt  }
0x53: {  	_ =	shalt  }
0x54: {  	_ =	shalt  }
0x55: {  	_ =	shalt  }
0x56: {  	_ =	shalt  }
0x57: {  	_ =	shalt  }
0x58: {  	_ =	shalt  }
0x59: {  	_ =	shalt  }
0x5a: {  	_ =	shalt  }
0x5b: {  	_ =	shalt  }
0x5c: {  	_ =	shalt  }
0x5d: {  	_ =	shalt  }
0x5e: {  	_ =	shalt  }
0x5f: {  	_ =	shalt  }
0x60: {  	_ =	shalt  }
0x61: {  	_ =	shalt  }
0x62: {  	_ =	shalt  }
0x63: {  	_ =	shalt  }
0x64: {  	_ =	shalt  }
0x65: {  	_ =	shalt  }
0x66: {  	_ =	shalt  }
0x67: {  	_ =	shalt  }
0x68: {  	_ =	shalt  }
0x69: {  	_ =	shalt  }
0x6a: {  	_ =	shalt  }
0x6b: {  	_ =	shalt  }
0x6c: {  	_ =	shalt  }
0x6d: {  	_ =	shalt  }
0x6e: {  	_ =	shalt  }
0x6f: {  	_ =	shalt  }
0x70: {  	_ =	shalt  }
0x71: {  	_ =	shalt  }
0x72: {  	_ =	shalt  }
0x73: {  	_ =	shalt  }
0x74: {  	_ =	shalt  }
0x75: {  	_ =	shalt  }
0x76: {  	_ =	shalt  }
0x77: {  	_ =	shalt  }
0x78: {  	_ =	shalt  }
0x79: {  	_ =	shalt  }
0x7a: {  	_ =	shalt  }
0x7b: {  	_ =	shalt  }
0x7c: {  	_ =	shalt  }
0x7d: {  	_ =	shalt  }
0x7e: {  	_ =	shalt  }
0x7f: {  	_ =	shalt  }
0x80: {  	_ =	shalt  }
0x81: {  	_ =	shalt  }
0x82: {  	_ =	shalt  }
0x83: {  	_ =	shalt  }
0x84: {  	_ =	shalt  }
0x85: {  	_ =	shalt  }
0x86: {  	_ =	shalt  }
0x87: {  	_ =	shalt  }
.Lfunc_end0:
.L_simem_size_0:
called_computation_lowered:
.L_overlay_start_0:
0x88: {  	s2 =	sld [smem:$0x3FD9]  }
0x89: {  	s3 =	sld [smem:$0x3FFE];
	_ =	sdelay $0x1  }
0x8a: {  	s1 =	srdreg.scid  }
0x8b: {  	s0 =	sand.u32 $0x1, s1  }
0x8c: {  	s17 =	sshll.u32 s0, $0xA;
	s2 =	sadd.s32 s3, s2  }
0x8d: {  	s2 =	sadd.s32 s2, s17  }
0x8e: {  	[smem:$0x3FC6] =	sst s2  }
0x8f: {  	_ = 	snop  }
0x90: {  	s2 =	sld [smem:$0x3FC8]  }
0x91: {  	s18 =	sld [smem:$0x3FD0];
	(tm) =	ssettm $0x1  }
0x92: {  	s4 =	sld [smem:$0x3FFB];
	_ =	sdelay $0x3  }
0x93: {  	_ =	strace s4  }
0x94: {  	s4 =	sld [smem:$0x3FFC];
	_ =	sdelay $0x3  }
0x95: {  	_ =	strace s4  }
0x96: {  	s4 =	sld [smem:$0x3FFD];
	_ =	sdelay $0x3  }
0x97: {  	_ =	strace s4  }
0x98: {  	_ =	strace $0x8FFFFFFF  }
0x99: {  	s19 =	sld [smem:$0x3FDB];
	_ =	sdelay $0x1  }
0x9a: {  	s5 =	simm.s32 $_scs_section_size  }
0x9b: {  	s6 =	simm.s32 $_size__tile_overlayer_lowered;
	s7 =	simm.s32 $_tile_overlayer_lowered  }
0x9c: {  	s22 =	simm.s32 $0x1BFF;
	s21 =	sshll.u32 s7, $0x1;
	s4 =	sadd.s32 s5, s19  }
0x9d: {  	s8 =	simm.s32 $0x0;
	s20 =	sshll.u32 s6, $0x1;
	s6 =	sadd.s32 s21, s4  }
0x9e: {  	[timem:s8], [sflag:s22] =	dma.local [hbm:s6], s20  }
0x9f: {  	_ =	swait.ge [sflag:s22], s20  }
0xa0: {  	s5 =	ssub.s32 $0x0, s20;
	[sflag:s22] =	ssyncset.done $0x0  }
0xa1: {  	[sflag:s22] =	ssyncadd.s32 s5;
	_ =	sdelay $0x1  }
0xa2: {  	s23 =	simm.s32 $0x1B8B  }
0xa3: {  	_ =	swait.ge [sflag:s23], $0x1  }
0xa4: {  	[sflag:s23] =	ssyncset.done $0x0  }
0xa5: {  	s25 =	simm.s32 $0x1B8E;
	s24 =	sld [smem:$0x3FFE];
	[sflag:s23] =	ssyncadd.s32 $0xFFFFFFFF  }
0xa6: {  	s26 =	simm.s32 $execute0_lowered;
	[smem:$0x3FD2] =	sst s25  }
0xa7: {  	s6 =	sshll.u32 s26, $0x1;
	_ =	strace $0x80000046;
	[dreg:$0x1] =	wrdreg $0xFFFFFFFF  }
0xa8: {  	s28 =	simm.s32 $_size_execute0_lowered;
	s4 =	sadd.s32 s4, s6;
	[dreg:$0x0] =	wrdreg $0x0  }
0xa9: {  	s6 =	sshll.u32 s28, $0x1;
	[dreg:$0x2] =	wrdreg s4  }
0xaa: {  	[dreg:$0x3] =	wrdreg s6  }
0xab: {  	[dreg:$0x4] =	wrdreg $0xC0  }
0xac: {  	_ =	task [dreg:s8], $0x5FFFF  }
0xad: {  	[dreg:$0x1] =	wrdreg $0xFFFFFFFF  }
0xae: {  	[dreg:$0x0] =	wrdreg $0x60  }
0xaf: {  	[dreg:$0x2] =	wrdreg s2  }
0xb0: {  	[dreg:$0x3] =	wrdreg s24  }
0xb1: {  	[dreg:$0x4] =	wrdreg s18  }
0xb2: {  	[dreg:$0x5] =	wrdreg $0x164000  }
0xb3: {  	[dreg:$0x6] =	wrdreg $0x9  }
0xb4: {  	_ =	task.clear_ibuf [dreg:s8], $0x7FFFF;
	_ =	strace $0x90000046  }
0xb5: {  	s29 =	simm.s32 $0x9;
	_ =	strace $0x80000048  }
0xb6: {  	_ =	swait.ge [sflag:s29], $0x1  }
0xb7: {  	[sflag:s29] =	ssyncadd.s32 $0xFFFFFFFF  }
0xb8: {  	_ =	strace $0x90000048  }
0xb9: {  	_ =	sfence  }
0xba: {  	s30 =	sld [smem:$0x0];
	_ =	sdelay $0x2  }
0xbb: {  	s31 =	sshll.u32 s1, $0xD;
	s1 =	sshrl.u32 s1, $0x2  }
0xbc: {  	s3 =	sand.u32 $0x4000, s31;
	s1 =	sadd.s32 s1, s30  }
0xbd: {  	s0 =	sor.u32 s3, s0;
	s1 =	sshll.u32 s1, $0x11  }
0xbe: {  	s0 =	sor.u32 s1, s0  }
0xbf: {  	s0 =	sadd.s32 $0x8F2B, s0  }
0xc0: {  	[sflag:s0] =	ssyncadd.remote.s32 $0x1  }
0xc1: {  	_ =	sfence.sel $0xFFFF  }
0xc2: {  	[dreg:$0x0] =	wrdreg $0xFFFFFFFF;
	(pc) =	sbr.abs _section_cstart, $3  }
0xc3: {  	[dreg:$0x1] =	wrdreg $0xFFFFFFFF  }
0xc4: {  	_ =	task.clear_ibuf [dreg:s8], $0x2FFFF;
	_ =	strace $0x9FFFFFFF  }
0xc5: {  	(tm) =	ssettm $0x7FFFFFFF  }
tec
execute0_lowered:
.L_overlay_start_1:
0x0: {  	(tag) =	ssettag $0x1  }
0x1: {  	s1 =	rddreg [dreg:$0x0]  }
0x2: {  	s5 =	rddreg [dreg:$0x1]  }
0x3: {  	s2 =	srdreg.scid;
	s9 =	rddreg [dreg:$0x2]  }
0x4: {  	s0 =	stileid.u32;
	s3 =	rddreg [dreg:$0x3];
	s4 =	simm.s32 $0x0  }
0x5: {  	s17 =	simm.s32 $0x6400;
	s18 =	simm.s32 $0x1;
	s19 =	simm.s32 $0xE400  }
0x6: {  	s20 =	simm.s32 $0x2;
	s21 =	simm.s32 $0x3;
	s22 =	simm.s32 $0x4  }
0x7: {  	s23 =	simm.s32 $0x0;
	s8 =	sand.u32 $0x1, s2;
	s2 =	rddreg [dreg:$0x4]  }
0x8: {  	s25 =	sshll.u32 s0, $0x1;
	[smem:$0x7FF] =	sst s4;
	s26 =	sshll.u32 s0, $0xD  }
0x9: {  	s28 =	sshll.u32 s0, $0xA;
	s13 =	sadd.s32 $0x1E000, s3;
	s15 =	smul.u32 $0xC8000, s0  }
0xa: {  	p0 =	seq.s32 s0, $0xF;
	s6 =	sor.u32 s8, s25;
	s16 =	smul.u32 $0x64000, s8  }
0xb: {  	s10 =	ssub.s32 $0x2, s8;
	_ =	strace $0x80000047;
	s7 =	smul.u32 $0x6400, s6  }
0xc: {  	s14 =	sadd.s32 s26, s3;
	s11 =	sshrl.u32 s10, $0x1;
	s12 =	smul.u32 $0x64000, s6  }
0xd: {  	s29 =	smul.u32 $0x320000, s6;
	s6 =	sadd.s32 $0x3C00, s1;
	s30 =	sadd.s32 s15, s9  }
0xe: {  	s15 =	sshll.u32 @!p0 s0, $0x6;
	s14 =	sshrl.u32 @!p0 s14, $0x3;
	s10 =	ssub.s32 s10, s11  }
0xf: {  	s31 =	sadd.s32 s16, s30;
	s16 =	simm.s32 $0x100;
	s7 =	sshrl.u32 s7, $0x3  }
0x10: {  	s11 =	sshrl.u32 s29, $0x3;
	s8 =	sadd.s32 s9, s12;
	s10 =	smax.u32 s10, $0x1  }
0x11: {  	s12 =	sshrl.u32 @p0 s13, $0x3;
	s13 =	sor.u32 @!p0 $0x1C05, s15;
	s15 =	simm.s32 $0x5  }
0x12: {  	s7 =	sadd.s32 s7, s5;
	s5 =	sadd.s32 s1, s28;
	s11 =	sadd.s32 s9, s11  }
0x13: {  	s7 =	sadd.s32 $0x400, s7;
	s9 =	sadd.s32 $0x63000, s11;
	s11 =	sadd.s32 $0x1000, s31  }
.LBB2_1:
0x14: {  	s24 =	simm.s32 @p0 $0x1FC5  }
0x15: {  	[spmem:s12], [sflag:s24] =	dma.local @p0 [hbm:s6], $0x2A0  }
0x16: {  	s24 =	simm.s32 @p0 $0x5  }
0x17: {  	_ =	swait.ge @p0 [sflag:s24], $0x2A0  }
0x18: {  	[sflag:s24] =	ssyncset.done @p0 $0x0  }
0x19: {  	[sflag:s24] =	ssyncadd.s32 @p0 $0xFFFFFD60;
	s24 =	simm.s32 @!p0 $0x5  }
0x1a: {  	[spmem:s14], [sflag:s13] =	dma.local @!p0 [hbm:s5], $0x400  }
0x1b: {  	_ =	swait.ge @!p0 [sflag:s24], $0x400  }
0x1c: {  	[sflag:s24] =	ssyncset.done @!p0 $0x0  }
0x1d: {  	[sflag:s24] =	ssyncadd.s32 @!p0 $0xFFFFFC00  }
0x1e: {  	[tilespmem:s4], [sflag:$0x5] =	stream.linear.gather [hbm4b:s7+s4], $0x6400, $0x38;
	[tilespmem:$0x18350] =	vst v63  }
0x1f: {  	_ =	swait.ge [sflag:s15], $0x6400  }
0x20: {  	[sflag:s15] =	ssyncset.done $0x0  }
0x21: {  	[sflag:s15] =	ssyncadd.s32 $0xFFFF9C00  }
0x22: {  	[bflag:$0x0] =	sbarrier.arrive $0xFFFF  }
0x23: {  	[tilespmem:s17], [sflag:$0x1] =	stream.indirect.gather [spmem:s3], $0x80, s4, s16, $0xb8;
	[tilespmem:$0x18350] =	vst v63  }
0x24: {  	_ =	swait.ge [sflag:s18], $0x8000  }
0x25: {  	[sflag:s18] =	ssyncset.done $0x0  }
0x26: {  	[sflag:s18] =	ssyncadd.s32 $0xFFFF8000  }
0x27: {  	[hbm4b:s8+s4] =	stream.linear.scatter [tilespmem:s17], [sflag:$0x3], $0x8000, $0x38;
	[tilespmem:$0x18350] =	vst v63  }
0x28: {  	_ = 	snop  }
0x29: {  	[tilespmem:s19], [sflag:$0x2] =	stream.indirect.gather [hbm4b:s1+s16], $0x80, s16, s16, $0xb8;
	[tilespmem:$0x18350] =	vst v63  }
0x2a: {  	_ =	swait.ge [sflag:s20], $0x8000  }
0x2b: {  	[sflag:s20] =	ssyncset.done $0x0  }
0x2c: {  	[sflag:s20] =	ssyncadd.s32 $0xFFFF8000  }
0x2d: {  	[hbm4b:s11+s4] =	stream.linear.scatter [tilespmem:s19], [sflag:$0x4], $0x8000, $0x38;
	[tilespmem:$0x18350] =	vst v63  }
0x2e: {  	_ =	swait.ge [sflag:s21], $0x8000  }
0x2f: {  	[sflag:s21] =	ssyncset.done $0x0  }
0x30: {  	s30 =	simm.s32 $0x200;
	[sflag:s21] =	ssyncadd.s32 $0xFFFF8000  }
0x31: {  	[tilespmem:s17], [sflag:$0x1] =	stream.indirect.gather [spmem:s3], $0x80, s30, s16, $0xb8;
	[tilespmem:$0x18350] =	vst v63  }
0x32: {  	_ =	swait.ge [sflag:s18], $0x8000  }
0x33: {  	[sflag:s18] =	ssyncset.done $0x0  }
0x34: {  	s31 =	sadd.s32 $0x1000, s11;
	[sflag:s18] =	ssyncadd.s32 $0xFFFF8000  }
0x35: {  	[hbm4b:s31+s4] =	stream.linear.scatter [tilespmem:s17], [sflag:$0x3], $0x8000, $0x38;
	[tilespmem:$0x18350] =	vst v63  }
0x36: {  	_ =	swait.ge [sflag:s22], $0x8000  }
0x37: {  	s26 =	simm.s32 $0x300;
	[sflag:s22] =	ssyncset.done $0x0  }
0x38: {  	s25 =	sadd.s32 $0x2000, s11;
	s24 =	simm.s32 $0x800;
	[sflag:s22] =	ssyncadd.s32 $0xFFFF8000  }
.LBB2_2:
0x39: {  	[tilespmem:s19], [sflag:$0x2] =	stream.indirect.gather [hbm4b:s1+s16], $0x80, s26, s16, $0xb8;
	[tilespmem:$0x18350] =	vst v63  }
0x3a: {  	s26 =	smov.u32 s24  }
0x3b: {  	p1 =	sne.s32 s24, $0x18000;
	s24 =	sadd.s32 $0x800, s24;
	_ =	swait.ge [sflag:s20], $0x8000  }
0x3c: {  	[sflag:s20] =	ssyncset.done $0x0  }
0x3d: {  	[sflag:s20] =	ssyncadd.s32 $0xFFFF8000  }
0x3e: {  	[hbm4b:s25+s4] =	stream.linear.scatter [tilespmem:s19], [sflag:$0x4], $0x8000, $0x38;
	[tilespmem:$0x18350] =	vst v63  }
0x3f: {  	_ =	swait.ge [sflag:s21], $0x8000  }
0x40: {  	s26 =	sshra.s32 s26, $0x2;
	[sflag:s21] =	ssyncset.done $0x0  }
0x41: {  	s28 =	sadd.s32 $0x200, s26;
	[sflag:s21] =	ssyncadd.s32 $0xFFFF8000  }
0x42: {  	[tilespmem:s17], [sflag:$0x1] =	stream.indirect.gather [spmem:s3], $0x80, s28, s16, $0xb8;
	[tilespmem:$0x18350] =	vst v63  }
0x43: {  	_ =	swait.ge [sflag:s18], $0x8000  }
0x44: {  	[sflag:s18] =	ssyncset.done $0x0  }
.Ltmp0:
0x45: {  	s28 =	sadd.s32 $0x1000, s25;
	[sflag:s18] =	ssyncadd.s32 $0xFFFF8000;
	(pc) =	sbr.rel @p1 .LBB2_2-.Ltmp0, $4  }
0x46: {  	[hbm4b:s28+s4] =	stream.linear.scatter [tilespmem:s17], [sflag:$0x3], $0x8000, $0x38;
	[tilespmem:$0x18350] =	vst v63  }
0x47: {  	_ =	swait.ge [sflag:s22], $0x8000  }
0x48: {  	[sflag:s22] =	ssyncset.done $0x0  }
0x49: {  	s26 =	sadd.s32 $0x300, s26;
	s25 =	sadd.s32 $0x2000, s25;
	[sflag:s22] =	ssyncadd.s32 $0xFFFF8000  }
0x4a: {  	[tilespmem:s19], [sflag:$0x2] =	stream.indirect.gather [hbm4b:s1+s16], $0x80, s26, s16, $0xb8;
	[tilespmem:$0x18350] =	vst v63  }
0x4b: {  	_ =	swait.ge [sflag:s20], $0x8000  }
0x4c: {  	[sflag:s20] =	ssyncset.done $0x0  }
0x4d: {  	s23 =	sadd.s32 $0x1, s23;
	[sflag:s20] =	ssyncadd.s32 $0xFFFF8000  }
0x4e: {  	[hbm4b:s9+s4] =	stream.linear.scatter [tilespmem:s19], [sflag:$0x4], $0x8000, $0x38;
	[tilespmem:$0x18350] =	vst v63  }
0x4f: {  	p1 =	sne.s32 s23, s10;
	_ =	swait.ge [sflag:s21], $0x8000  }
.Ltmp1:
0x50: {  	[sflag:s21] =	ssyncset.done $0x0;
	(pc) =	sbr.rel @p1 .LBB2_1-.Ltmp1, $4  }
0x51: {  	[sflag:s21] =	ssyncadd.s32 $0xFFFF8000  }
0x52: {  	_ =	swait.ge [sflag:s22], $0x8000  }
0x53: {  	[sflag:s22] =	ssyncset.done $0x0  }
0x54: {  	[sflag:s22] =	ssyncadd.s32 $0xFFFF8000  }
0x55: {  	_ =	sfence.sel $0x180000  }
0x56: {  	[bflag:$0x0] =	sbarrier.arrive $0xFFFF  }
0x57: {  	p0 =	sne.s32 s0, $0x0;
	_ =	strace $0x90000047  }
0x58: {  	s0 =	sadd.s32 @!p0 $0x100000, s2;
	[bflag:$0x2] =	sbarrier.arrive $0xFFFF  }
0x59: {  	[sflag:s0] =	ssyncadd.tile.s32 @!p0 $0x1;
	_ =	shalt  }
.Lfunc_end2:
_tile_overlayer_lowered:
.L_overlay_start_2:
0x5a: {  	(tag) =	ssettag $0x2  }
0x5b: {  	s0 =	rddreg [dreg:$0x0];
	s2 =	stileid.u32  }
0x5c: {  	s1 =	rddreg [dreg:$0x1];
	p0 =	sne.s32 s2, $0x0  }
0x5d: {  	s3 =	rddreg [dreg:$0x2];
	[bflag:$0x3] =	sbarrier.arrive $0xFFFF;
	s2 =	simm.s32 @!p0 $0x1C05  }
0x5e: {  	[timem:s3], [sflag:s2] =	dma.local @!p0 [hbm:s0], s1  }
0x5f: {  	s0 =	simm.s32 @!p0 $0x5  }
0x60: {  	_ =	swait.ge @!p0 [sflag:s0], s1  }
0x61: {  	s1 =	ssub.s32 @!p0 $0x0, s1;
	[sflag:s0] =	ssyncset.done @!p0 $0x0  }
0x62: {  	[sflag:s0] =	ssyncadd.s32 @!p0 s1  }
0x63: {  	[bflag:$0x3] =	sbarrier.arrive $0xFFFF  }
0x64: {  	_ =	shalt  }

</sc_bundles>
